<compile_context>
chip_gen: v7x
topology: tpu7x:2x2x1
jax: 0.10.2.dev20260603
libtpu: 0.0.44.dev20260713+nightly
codegen_flags: <defaults>
</compile_context>

<pallas_src>
import functools

import jax
import jax.numpy as jnp
from jax import lax
from jax.experimental import pallas as pl
from jax.experimental.pallas import tpu as pltpu

B, C, H, W = 2, 128, 360, 360
NC = 10
NCP = 16
P = 200
BH = 8
HP, WP = H + 2, W + 2


def _conv_tile(xm_ref, xt_ref, w1_ref, b1_ref, w2_ref, b2_ref, heat_ref):
    x = jnp.concatenate([xm_ref[0], xt_ref[0]], axis=0)
    cols = [x[dy:dy + BH, dx:dx + W, :].reshape(BH * W, C)
            for dy in range(3) for dx in range(3)]
    im2col = jnp.concatenate(cols, axis=1)
    wcat = w1_ref[...].reshape(9 * C, C)
    acc = jnp.dot(im2col, wcat, preferred_element_type=jnp.float32)
    h = jnp.maximum(acc + b1_ref[0], 0.0)
    logits = jnp.dot(h, w2_ref[...],
                     preferred_element_type=jnp.float32) + b2_ref[0]
    heat = jax.nn.sigmoid(logits)
    heat_ref[0] = heat.reshape(BH, W, NCP)


def _heatmap(xp, w1r, b1, w2p, b2p):
    grid = (B, H // BH)
    return pl.pallas_call(
        _conv_tile,
        grid=grid,
        in_specs=[
            pl.BlockSpec((1, BH, WP, C), lambda b, i: (b, i, 0, 0)),
            pl.BlockSpec((1, 2, WP, C), lambda b, i: (b, (i + 1) * BH // 2, 0, 0)),
            pl.BlockSpec((3, 3, C, C), lambda b, i: (0, 0, 0, 0)),
            pl.BlockSpec((1, C), lambda b, i: (0, 0)),
            pl.BlockSpec((C, NCP), lambda b, i: (0, 0)),
            pl.BlockSpec((1, NCP), lambda b, i: (0, 0)),
        ],
        out_specs=pl.BlockSpec((1, BH, W, NCP), lambda b, i: (b, i, 0, 0)),
        out_shape=jax.ShapeDtypeStruct((B, H, W, NCP), jnp.float32),
    )(xp, xp, w1r, b1, w2p, b2p)


def kernel(x, W1, b1, W2, b2, classW, classb, HW1, Hb1, HW2, Hb2):
    xt = x.transpose(0, 2, 3, 1)
    xp = jnp.pad(xt, ((0, 0), (1, 1), (1, 1), (0, 0)))
    w1r = W1.transpose(2, 3, 1, 0)
    w2 = W2[:, :, 0, 0].T
    w2p = jnp.pad(w2, ((0, 0), (0, NCP - NC)))
    b2p = jnp.pad(b2, (0, NCP - NC), constant_values=-1e30)

    heat16 = _heatmap(xp, w1r, b1[None], w2p, b2p[None])
    heatmap = heat16[..., :NC].transpose(0, 3, 1, 2)

    padding = 3 // 2
    inner = lax.reduce_window(heatmap, -jnp.inf, lax.max,
                              (1, 1, 3, 3), (1, 1, 1, 1), 'VALID')
    local_max = jnp.zeros_like(heatmap)
    local_max = local_max.at[:, :, padding:-padding, padding:-padding].set(inner)
    local_max = local_max.at[:, 8].set(heatmap[:, 8])
    local_max = local_max.at[:, 9].set(heatmap[:, 9])
    heatmap_nms = heatmap * (heatmap == local_max).astype(heatmap.dtype)
    flat = heatmap_nms.reshape(B, -1)
    top_scores, top_idx = lax.top_k(flat, P)
    hw = H * W
    top_cls = top_idx // hw
    top_pos = top_idx % hw
    x_flat = x.reshape(B, C, hw)
    idx_b = jnp.broadcast_to(top_pos[:, None, :], (B, C, P))
    query_feat = jnp.take_along_axis(x_flat, idx_b, axis=2)
    one_hot = jax.nn.one_hot(top_cls, NC, dtype=x.dtype).transpose(0, 2, 1)
    cat_enc = jnp.einsum('oc,bcp->bop', classW, one_hot) + classb[None, :, None]
    query_feat = query_feat + cat_enc
    hidden = jax.nn.relu(jnp.einsum('ghc,bcp->bghp', HW1, query_feat)
                         + Hb1[None, :, :, None])
    out = jnp.einsum('goh,bghp->bgop', HW2, hidden) + Hb2[None, :, :, None]
    center = out[:, 0, :2]
    height = out[:, 1, :1]
    dim = out[:, 2, :3]
    rot = out[:, 3, :2]
    vel = out[:, 4, :2]
    hm = out[:, 5, :10]
    return jnp.concatenate([center, height, dim, rot, vel, hm], axis=1)

# --- scband reference (transcript-rebuilt; emitter-appended) ---
"""Pipeline reference for scband-sparse-former-head-33689723470046 (READ-ONLY COPY).

The authoritative reference and input builder live on the scoring server;
editing this copy changes nothing except your own understanding.
"""

import jax, jax.numpy as jnp
import numpy as np

B, C, H, W = 2, 128, 360, 360
NC = 10
P = 200
KNMS = 3


def conv2d(x, w, b, pad):
    out = jax.lax.conv_general_dilated(
        x, w, window_strides=(1, 1), padding=[(pad, pad), (pad, pad)],
        dimension_numbers=('NCHW', 'OIHW', 'NCHW'))
    return out + b[None, :, None, None]


def setup_inputs(seed: int = 0) -> dict:
    key = jax.random.key(seed)
    ks = jax.random.split(key, 8)
    x = jax.random.normal(ks[0], (B, C, H, W), dtype=jnp.float32)
    # heatmap head: 3x3 conv C->C (+ReLU) then 1x1 conv C->num_class (bias init -2.19)
    W1 = jax.random.normal(ks[1], (C, C, 3, 3), dtype=jnp.float32) * 0.05
    b1 = jnp.zeros((C,), dtype=jnp.float32)
    W2 = jax.random.normal(ks[2], (NC, C, 1, 1), dtype=jnp.float32) * 0.05
    b2 = jnp.full((NC,), -2.19, dtype=jnp.float32)
    # class encoding conv1d num_class -> C
    classW = jax.random.normal(ks[3], (C, NC), dtype=jnp.float32) * 0.05
    classb = jnp.zeros((C,), dtype=jnp.float32)
    # SeparateHead: 6 heads (center,height,dim,rot,vel,heatmap), each conv1d C->64 ReLU then 64->out
    # first convs stacked [6,64,C]; second convs padded to max out=10, sliced per head
    HW1 = jax.random.normal(ks[4], (6, 64, C), dtype=jnp.float32) * 0.05
    Hb1 = jnp.zeros((6, 64), dtype=jnp.float32)
    HW2 = jax.random.normal(ks[5], (6, 10, 64), dtype=jnp.float32) * 0.05
    Hb2 = jnp.zeros((6, 10), dtype=jnp.float32)
    return {"x": x, "W1": W1, "b1": b1, "W2": W2, "b2": b2,
            "classW": classW, "classb": classb,
            "HW1": HW1, "Hb1": Hb1, "HW2": HW2, "Hb2": Hb2}


def reference(x, W1, b1, W2, b2, classW, classb, HW1, Hb1, HW2, Hb2):
    # heatmap head
    h = jax.nn.relu(conv2d(x, W1, b1, pad=1))
    dense_heatmap = conv2d(h, W2, b2, pad=0)  # [B, NC, H, W]
    # detach + sigmoid (torch: dense_heatmap.detach().sigmoid())
    heatmap = jax.nn.sigmoid(jax.lax.stop_gradient(dense_heatmap))
    # max-pool NMS
    padding = KNMS // 2
    inner = jax.lax.reduce_window(heatmap, -jnp.inf, jax.lax.max,
                                  (1, 1, KNMS, KNMS), (1, 1, 1, 1), 'VALID')
    local_max = jnp.zeros_like(heatmap)
    local_max = local_max.at[:, :, padding:-padding, padding:-padding].set(inner)
    # nuScenes: pedestrian (8) and traffic_cone (9) use kernel size 1
    local_max = local_max.at[:, 8].set(heatmap[:, 8])
    local_max = local_max.at[:, 9].set(heatmap[:, 9])
    heatmap_nms = heatmap * (heatmap == local_max).astype(heatmap.dtype)
    # top-k proposals over class*H*W
    flat = heatmap_nms.reshape(B, -1)
    top_scores, top_idx = jax.lax.top_k(flat, P)
    hw = H * W
    top_cls = top_idx // hw          # [B, P]
    top_pos = top_idx % hw           # [B, P]
    # gather query features from dense map
    x_flat = x.reshape(B, C, hw)
    idx_b = jnp.broadcast_to(top_pos[:, None, :], (B, C, P))
    query_feat = jnp.take_along_axis(x_flat, idx_b, axis=2)  # [B, C, P]
    # class encoding: one-hot -> conv1d(NC -> C)
    one_hot = jax.nn.one_hot(top_cls, NC, dtype=x.dtype).transpose(0, 2, 1)  # [B, NC, P]
    cat_enc = jnp.einsum('oc,bcp->bop', classW, one_hot) + classb[None, :, None]
    query_feat = query_feat + cat_enc
    # SeparateHead prediction
    hidden = jax.nn.relu(jnp.einsum('ghc,bcp->bghp', HW1, query_feat) + Hb1[None, :, :, None])
    out = jnp.einsum('goh,bghp->bgop', HW2, hidden) + Hb2[None, :, :, None]  # [B,6,10,P]
    center = out[:, 0, :2]
    height = out[:, 1, :1]
    dim = out[:, 2, :3]
    rot = out[:, 3, :2]
    vel = out[:, 4, :2]
    hm = out[:, 5, :10]
    res = jnp.concatenate([center, height, dim, rot, vel, hm], axis=1)  # [B, 20, P]
    return res


if False:  # reference __main__ guard neutralized (emitter)
    inp = setup_inputs()
    out = reference(**inp)
    print(out.shape)

if __name__ == "__main__":
    import jax
    _d = setup_inputs()
    print(jax.jit(kernel)(*tuple(_d.values())))

</pallas_src>

<mosaic_0001>
module attributes {stable_mosaic.version = 14 : i64} {
  func.func @_conv_tile(%arg0: i32, %arg1: i32, %arg2: memref<1x8x362x128xf32, #tpu.memory_space<vmem>>, %arg3: memref<1x2x362x128xf32, #tpu.memory_space<vmem>>, %arg4: memref<3x3x128x128xf32, #tpu.memory_space<vmem>>, %arg5: memref<1x128xf32, #tpu.memory_space<vmem>>, %arg6: memref<128x16xf32, #tpu.memory_space<vmem>>, %arg7: memref<1x16xf32, #tpu.memory_space<vmem>>, %arg8: memref<1x8x360x16xf32, #tpu.memory_space<vmem>>) attributes {dimension_semantics = [#tpu.dimension_semantics<arbitrary>, #tpu.dimension_semantics<arbitrary>], iteration_bounds = array<i64: 2, 45>, scalar_prefetch = 0 : i64, scratch_operands = 0 : i64, tpu.core_type = #tpu.core_type<tc>, window_params = [{transform_indices = @transform_0, window_bounds = array<i64: 1, 8, 362, 128>}, {transform_indices = @transform_1, window_bounds = array<i64: 1, 2, 362, 128>}, {pipeline_mode = #tpu.pipeline_mode<synchronous>, transform_indices = @transform_2, window_bounds = array<i64: 3, 3, 128, 128>}, {pipeline_mode = #tpu.pipeline_mode<synchronous>, transform_indices = @transform_3, window_bounds = array<i64: 1, 128>}, {pipeline_mode = #tpu.pipeline_mode<synchronous>, transform_indices = @transform_4, window_bounds = array<i64: 128, 16>}, {pipeline_mode = #tpu.pipeline_mode<synchronous>, transform_indices = @transform_5, window_bounds = array<i64: 1, 16>}, {transform_indices = @transform_6, window_bounds = array<i64: 1, 8, 360, 16>}]} {
    %get3A = arith.constant 0 : index
    %get3A_0 = arith.constant 0 : index
    %get3A_1 = arith.constant 0 : index
    %get3A_2 = arith.constant 0 : index
    %get3A_3 = vector.load %arg2[%get3A, %get3A_0, %get3A_1, %get3A_2] : memref<1x8x362x128xf32, #tpu.memory_space<vmem>>, vector<1x8x362x128xf32>
    %get3A_4 = vector.shape_cast %get3A_3 : vector<1x8x362x128xf32> to vector<8x362x128xf32>
    %get3A_5 = arith.constant 0 : index
    %get3A_6 = arith.constant 0 : index
    %get3A_7 = arith.constant 0 : index
    %get3A_8 = arith.constant 0 : index
    %get3A_9 = vector.load %arg3[%get3A_5, %get3A_6, %get3A_7, %get3A_8] : memref<1x2x362x128xf32, #tpu.memory_space<vmem>>, vector<1x2x362x128xf32>
    %get3A_10 = vector.shape_cast %get3A_9 : vector<1x2x362x128xf32> to vector<2x362x128xf32>
    %concatenate3A = tpu.concatenate %get3A_4, %get3A_10 in 0 : vector<8x362x128xf32>, vector<2x362x128xf32> -> vector<10x362x128xf32>
    %slice3A = vector.extract_strided_slice %concatenate3A {offsets = [0, 0, 0], sizes = [8, 360, 128], strides = [1, 1, 1]} : vector<10x362x128xf32> to vector<8x360x128xf32>
    %reshape3A = vector.shape_cast %slice3A : vector<8x360x128xf32> to vector<2880x128xf32>
    %slice3A_11 = vector.extract_strided_slice %concatenate3A {offsets = [0, 1, 0], sizes = [8, 360, 128], strides = [1, 1, 1]} : vector<10x362x128xf32> to vector<8x360x128xf32>
    %reshape3A_12 = vector.shape_cast %slice3A_11 : vector<8x360x128xf32> to vector<2880x128xf32>
    %slice3A_13 = vector.extract_strided_slice %concatenate3A {offsets = [0, 2, 0], sizes = [8, 360, 128], strides = [1, 1, 1]} : vector<10x362x128xf32> to vector<8x360x128xf32>
    %reshape3A_14 = vector.shape_cast %slice3A_13 : vector<8x360x128xf32> to vector<2880x128xf32>
    %slice3A_15 = vector.extract_strided_slice %concatenate3A {offsets = [1, 0, 0], sizes = [8, 360, 128], strides = [1, 1, 1]} : vector<10x362x128xf32> to vector<8x360x128xf32>
    %reshape3A_16 = vector.shape_cast %slice3A_15 : vector<8x360x128xf32> to vector<2880x128xf32>
    %slice3A_17 = vector.extract_strided_slice %concatenate3A {offsets = [1, 1, 0], sizes = [8, 360, 128], strides = [1, 1, 1]} : vector<10x362x128xf32> to vector<8x360x128xf32>
    %reshape3A_18 = vector.shape_cast %slice3A_17 : vector<8x360x128xf32> to vector<2880x128xf32>
    %slice3A_19 = vector.extract_strided_slice %concatenate3A {offsets = [1, 2, 0], sizes = [8, 360, 128], strides = [1, 1, 1]} : vector<10x362x128xf32> to vector<8x360x128xf32>
    %reshape3A_20 = vector.shape_cast %slice3A_19 : vector<8x360x128xf32> to vector<2880x128xf32>
    %slice3A_21 = vector.extract_strided_slice %concatenate3A {offsets = [2, 0, 0], sizes = [8, 360, 128], strides = [1, 1, 1]} : vector<10x362x128xf32> to vector<8x360x128xf32>
    %reshape3A_22 = vector.shape_cast %slice3A_21 : vector<8x360x128xf32> to vector<2880x128xf32>
    %slice3A_23 = vector.extract_strided_slice %concatenate3A {offsets = [2, 1, 0], sizes = [8, 360, 128], strides = [1, 1, 1]} : vector<10x362x128xf32> to vector<8x360x128xf32>
    %reshape3A_24 = vector.shape_cast %slice3A_23 : vector<8x360x128xf32> to vector<2880x128xf32>
    %slice3A_25 = vector.extract_strided_slice %concatenate3A {offsets = [2, 2, 0], sizes = [8, 360, 128], strides = [1, 1, 1]} : vector<10x362x128xf32> to vector<8x360x128xf32>
    %reshape3A_26 = vector.shape_cast %slice3A_25 : vector<8x360x128xf32> to vector<2880x128xf32>
    %concatenate3A_27 = tpu.concatenate %reshape3A, %reshape3A_12, %reshape3A_14, %reshape3A_16, %reshape3A_18, %reshape3A_20, %reshape3A_22, %reshape3A_24, %reshape3A_26 in 1 : vector<2880x128xf32>, vector<2880x128xf32>, vector<2880x128xf32>, vector<2880x128xf32>, vector<2880x128xf32>, vector<2880x128xf32>, vector<2880x128xf32>, vector<2880x128xf32>, vector<2880x128xf32> -> vector<2880x1152xf32>
    %get3A_28 = arith.constant 0 : index
    %get3A_29 = arith.constant 0 : index
    %get3A_30 = arith.constant 0 : index
    %get3A_31 = arith.constant 0 : index
    %get3A_32 = vector.load %arg4[%get3A_28, %get3A_29, %get3A_30, %get3A_31] : memref<3x3x128x128xf32, #tpu.memory_space<vmem>>, vector<3x3x128x128xf32>
    %reshape3A_33 = vector.shape_cast %get3A_32 : vector<3x3x128x128xf32> to vector<1152x128xf32>
    %dot_general3A = arith.constant dense<0.000000e+00> : vector<2880x128xf32>
    %dot_general3A_34 = tpu.matmul %concatenate3A_27, %reshape3A_33, %dot_general3A {dimension_numbers = #tpu.dot_dimension_numbers<[1], [0], [0], [1], [0, 0, 1, 1], [], []>, transpose_lhs_hint = false} : vector<2880x1152xf32>, vector<1152x128xf32>, vector<2880x128xf32> -> vector<2880x128xf32>
    %get3A_35 = arith.constant 0 : index
    %get3A_36 = arith.constant 0 : index
    %get3A_37 = vector.load %arg5[%get3A_35, %get3A_36] : memref<1x128xf32, #tpu.memory_space<vmem>>, vector<1x128xf32>
    %get3A_38 = vector.shape_cast %get3A_37 : vector<1x128xf32> to vector<128xf32>
    %broadcast_in_dim3A = vector.shape_cast %get3A_38 : vector<128xf32> to vector<1x128xf32>
    %add3A = vector.broadcast %broadcast_in_dim3A : vector<1x128xf32> to vector<2880x128xf32>
    %add3A_39 = arith.addf %dot_general3A_34, %add3A : vector<2880x128xf32>
    %max3A = arith.constant 0.000000e+00 : f32
    %max3A_40 = vector.broadcast %max3A : f32 to vector<2880x128xf32>
    %max3A_41 = arith.maximumf %add3A_39, %max3A_40 : vector<2880x128xf32>
    %get3A_42 = arith.constant 0 : index
    %get3A_43 = arith.constant 0 : index
    %get3A_44 = vector.load %arg6[%get3A_42, %get3A_43] : memref<128x16xf32, #tpu.memory_space<vmem>>, vector<128x16xf32>
    %dot_general3A_45 = arith.constant dense<0.000000e+00> : vector<2880x16xf32>
    %dot_general3A_46 = tpu.matmul %max3A_41, %get3A_44, %dot_general3A_45 {dimension_numbers = #tpu.dot_dimension_numbers<[1], [0], [0], [1], [0, 0, 1, 1], [], []>, transpose_lhs_hint = false} : vector<2880x128xf32>, vector<128x16xf32>, vector<2880x16xf32> -> vector<2880x16xf32>
    %get3A_47 = arith.constant 0 : index
    %get3A_48 = arith.constant 0 : index
    %get3A_49 = vector.load %arg7[%get3A_47, %get3A_48] : memref<1x16xf32, #tpu.memory_space<vmem>>, vector<1x16xf32>
    %get3A_50 = vector.shape_cast %get3A_49 : vector<1x16xf32> to vector<16xf32>
    %broadcast_in_dim3A_51 = vector.shape_cast %get3A_50 : vector<16xf32> to vector<1x16xf32>
    %add3A_52 = vector.broadcast %broadcast_in_dim3A_51 : vector<1x16xf32> to vector<2880x16xf32>
    %add3A_53 = arith.addf %dot_general3A_46, %add3A_52 : vector<2880x16xf32>
    %logistic3A = arith.negf %add3A_53 : vector<2880x16xf32>
    %logistic3A_54 = math.exp %logistic3A : vector<2880x16xf32>
    %logistic3A_55 = arith.constant 1.000000e+00 : f32
    %logistic3A_56 = vector.broadcast %logistic3A_55 : f32 to vector<2880x16xf32>
    %logistic3A_57 = arith.addf %logistic3A_56, %logistic3A_54 : vector<2880x16xf32>
    %logistic3A_58 = arith.divf %logistic3A_56, %logistic3A_57 : vector<2880x16xf32>
    %reshape3A_59 = vector.shape_cast %logistic3A_58 : vector<2880x16xf32> to vector<8x360x16xf32>
    %swap3A = arith.constant 0 : index
    %swap3A_60 = arith.constant 0 : index
    %swap3A_61 = arith.constant 0 : index
    %swap3A_62 = arith.constant 0 : index
    %swap3A_63 = vector.load %arg8[%swap3A, %swap3A_60, %swap3A_61, %swap3A_62] : memref<1x8x360x16xf32, #tpu.memory_space<vmem>>, vector<1x8x360x16xf32>
    %swap3A_64 = vector.shape_cast %swap3A_63 : vector<1x8x360x16xf32> to vector<8x360x16xf32>
    %swap3A_65 = vector.shape_cast %reshape3A_59 : vector<8x360x16xf32> to vector<1x8x360x16xf32>
    tpu.vector_store %arg8[%swap3A, %swap3A_60, %swap3A_61, %swap3A_62], %swap3A_65 {strides = array<i32>} : memref<1x8x360x16xf32, #tpu.memory_space<vmem>>, vector<1x8x360x16xf32>,
    return
  }
  func.func @transform_0(%arg0: i32, %arg1: i32) -> (i32, i32, i32, i32) {
    %c0_i32 = arith.constant 0 : i32
    %c0_i32_0 = arith.constant 0 : i32
    %c0_i32_1 = arith.constant 0 : i32
    return %arg0, %arg1, %c0_i32, %c0_i32_0 : i32, i32, i32, i32
  }
  func.func @transform_1(%arg0: i32, %arg1: i32) -> (i32, i32, i32, i32) {
    %add3A = arith.constant 1 : i32
    %add3A_0 = arith.addi %arg1, %add3A : i32
    %mul3A = arith.constant 8 : i32
    %mul3A_1 = arith.muli %add3A_0, %mul3A : i32
    %jit3A = arith.constant 2 : i32
    %div3A = arith.divsi %mul3A_1, %jit3A : i32
    %sign3A = arith.constant 0 : i32
    %sign3A_2 = arith.cmpi sgt, %mul3A_1, %sign3A : i32
    %sign3A_3 = arith.extui %sign3A_2 : i1 to i32
    %sign3A_4 = arith.constant 0 : i32
    %sign3A_5 = arith.cmpi slt, %mul3A_1, %sign3A_4 : i32
    %sign3A_6 = arith.extui %sign3A_5 : i1 to i32
    %sign3A_7 = arith.subi %sign3A_3, %sign3A_6 : i32
    %sign3A_8 = arith.constant 0 : i32
    %sign3A_9 = arith.cmpi sgt, %jit3A, %sign3A_8 : i32
    %sign3A_10 = arith.extui %sign3A_9 : i1 to i32
    %sign3A_11 = arith.constant 0 : i32
    %sign3A_12 = arith.cmpi slt, %jit3A, %sign3A_11 : i32
    %sign3A_13 = arith.extui %sign3A_12 : i1 to i32
    %sign3A_14 = arith.subi %sign3A_10, %sign3A_13 : i32
    %ne3A = arith.cmpi ne, %sign3A_7, %sign3A_14 : i32
    %rem3A = arith.remsi %mul3A_1, %jit3A : i32
    %ne3A_15 = arith.constant 0 : i32
    %ne3A_16 = arith.cmpi ne, %rem3A, %ne3A_15 : i32
    %and3A = arith.andi %ne3A, %ne3A_16 : i1
    %sub3A = arith.constant 1 : i32
    %sub3A_17 = arith.subi %div3A, %sub3A : i32
    %select_n3A = arith.select %and3A, %sub3A_17, %div3A : i32
    %c0_i32 = arith.constant 0 : i32
    %c0_i32_18 = arith.constant 0 : i32
    %c0_i32_19 = arith.constant 0 : i32
    return %arg0, %select_n3A, %c0_i32, %c0_i32_18 : i32, i32, i32, i32
  }
  func.func @transform_2(%arg0: i32, %arg1: i32) -> (i32, i32, i32, i32) {
    %c0_i32 = arith.constant 0 : i32
    %c0_i32_0 = arith.constant 0 : i32
    %c0_i32_1 = arith.constant 0 : i32
    %c0_i32_2 = arith.constant 0 : i32
    %c0_i32_3 = arith.constant 0 : i32
    return %c0_i32, %c0_i32_0, %c0_i32_1, %c0_i32_2 : i32, i32, i32, i32
  }
  func.func @transform_3(%arg0: i32, %arg1: i32) -> (i32, i32) {
    %c0_i32 = arith.constant 0 : i32
    %c0_i32_0 = arith.constant 0 : i32
    %c0_i32_1 = arith.constant 0 : i32
    return %c0_i32, %c0_i32_0 : i32, i32
  }
  func.func @transform_4(%arg0: i32, %arg1: i32) -> (i32, i32) {
    %c0_i32 = arith.constant 0 : i32
    %c0_i32_0 = arith.constant 0 : i32
    %c0_i32_1 = arith.constant 0 : i32
    return %c0_i32, %c0_i32_0 : i32, i32
  }
  func.func @transform_5(%arg0: i32, %arg1: i32) -> (i32, i32) {
    %c0_i32 = arith.constant 0 : i32
    %c0_i32_0 = arith.constant 0 : i32
    %c0_i32_1 = arith.constant 0 : i32
    return %c0_i32, %c0_i32_0 : i32, i32
  }
  func.func @transform_6(%arg0: i32, %arg1: i32) -> (i32, i32, i32, i32) {
    %c0_i32 = arith.constant 0 : i32
    %c0_i32_0 = arith.constant 0 : i32
    %c0_i32_1 = arith.constant 0 : i32
    return %arg0, %arg1, %c0_i32, %c0_i32_0 : i32, i32, i32, i32
  }
}

</mosaic_0001>

<sc_bundles>
// kernel: gather_offload_async_start
scs
__scs_entry_jumppad:
0x0: {  	(pc) =	sbr.rel $0x88, $3  }
0x1: {  	(tag) =	ssettag $0x0;
	lr =	simm.s32 $0x1  }
0x2: {  	[smem:$0x3F96] =	sst lr;
	_ =	strace $0xD0000000  }
0x3: {  	_ = 	snop  }
0x4: {  	_ = 	snop  }
0x5: {  	_ = 	snop  }
0x6: {  	_ = 	snop  }
0x7: {  	_ = 	snop  }
__scs_overlays_trampoline_lowered:
0x8: {  	[smem:$0x3FA5] =	sst s0  }
0x9: {  	[smem:$0x3FA6] =	sst s1  }
0xa: {  	[smem:$0x3FA7] =	sst s2  }
0xb: {  	[smem:$0x3FA8] =	sst s3  }
0xc: {  	[smem:$0x3FA9] =	sst s4  }
0xd: {  	[smem:$0x3FAA] =	sst s5  }
0xe: {  	[smem:$0x3FAB] =	sst s6  }
0xf: {  	[smem:$0x3FAC] =	sst s7  }
0x10: {  	[smem:$0x3FAD] =	sst s8  }
0x11: {  	[smem:$0x3FAE] =	sst s9;
	s0 =	simm.s32 @!p0 $0x0  }
0x12: {  	s1 =	sld [smem:$0x3F94];
	s0 =	simm.s32 @p0 $0x1  }
0x13: {  	[smem:$0x3FAF] =	sst s0;
	s0 =	simm.s32 @!p1 $0x0  }
0x14: {  	s2 =	sld [smem:$0x3F93];
	s0 =	simm.s32 @p1 $0x1  }
0x15: {  	[smem:$0x3FB0] =	sst s0;
	s0 =	simm.s32 @!p2 $0x0  }
0x16: {  	s3 =	sld [smem:$0x3FDB];
	s0 =	simm.s32 @p2 $0x1  }
0x17: {  	s4 =	simm.s32 $0x1BF5;
	[smem:$0x3FB2] =	sst s0  }
0x18: {  	s0 =	sld [smem:$0x3F95];
	_ =	swait.ge [sflag:s4], $0x0  }
0x19: {  	s7 =	sld [smem:$0x3F96]  }
0x1a: {  	s8 =	sadd.s32 $0xFFFFE003, lr  }
0x1b: {  	s9 =	sadd.s32 $0xFFFFFEF7, lr;
	s5 =	simm.s32 $0xFFFFFFFF;
	p2 =	slt.u32 s8, $0xFFFFF086  }
0x1c: {  	p1 =	slt.u32 s9, $0xF7A;
	s5 =	simm.s32 @!p2 $0x0  }
0x1d: {  	s5 =	simm.s32 @p1 $0x1;
	p0 =	seq.s32 s7, s2  }
0x1e: {  	s7 =	smul.u32 @!p0 $0xF7A, s2;
	p2 =	seq.s32 @!p0 s5, $0x0  }
0x1f: {  	s9 =	smul.u32 $0xF7A, s1;
	s8 =	simm.s32 @!p0 $0x1BF5;
	p2 =	por !p2, p0  }
0x20: {  	[sflag:s8] =	ssyncset.s32 @!p0 $0xFFFFF086;
	s6 =	sadd.s32 @!p0 s3, s7;
	s7 =	simm.s32 @!p0 $0x108  }
0x21: {  	s3 =	sadd.s32 s3, s9;
	s6 =	sadd.s32 @!p0 $0x88, s6;
	s7 =	simm.s32 @p2 $0x1082  }
0x22: {  	[simem:s7], [sflag:s8] =	dma.local @!p0 [hbm:s6], $0xF7A  }
0x23: {  	s9 =	sor.u32 $0xD0000000, s2;
	s6 =	simm.s32 $0x108;
	_ =	swait.ge @!p0 [sflag:s8], $0x0  }
0x24: {  	s3 =	sadd.s32 $0x88, s3;
	s6 =	simm.s32 @!p1 $0x1082;
	[sflag:s4] =	ssyncset.s32 $0xFFFFF086  }
0x25: {  	[simem:s6], [sflag:s4] =	dma.local [hbm:s3], $0xF7A  }
0x26: {  	[smem:$0x3F96] =	sst s1;
	(tag) =	ssettag s2;
	_ =	strace s9  }
0x27: {  	s1 =	sld [smem:$0x3FA6]  }
0x28: {  	s2 =	sld [smem:$0x3FA7]  }
0x29: {  	s4 =	sld [smem:$0x3FA9]  }
0x2a: {  	p0 =	seq.s32 s5, $0x0;
	s5 =	sld [smem:$0x3FAA]  }
0x2b: {  	s6 =	sld [smem:$0x3FAB]  }
0x2c: {  	s7 =	sld [smem:$0x3FAC]  }
0x2d: {  	s3 =	simm.s32 $0x108;
	s8 =	sld [smem:$0x3FAD]  }
0x2e: {  	s3 =	simm.s32 @!p0 $0x1082;
	s9 =	sld [smem:$0x3FAE]  }
0x2f: {  	lr =	sadd.s32 s0, s3;
	s0 =	sld [smem:$0x3FA5]  }
0x30: {  	s3 =	sld [smem:$0x3FA8]  }
0x31: {  	[smem:$0x3FB1] =	sst s10  }
0x32: {  	s10 =	sld [smem:$0x3FAF];
	_ =	sdelay $0x3  }
0x33: {  	p0 =	seq.s32 s10, $0x1;
	s10 =	sld [smem:$0x3FB1];
	_ =	sdelay $0x3  }
0x34: {  	[smem:$0x3FB1] =	sst s10  }
0x35: {  	s10 =	sld [smem:$0x3FB0];
	_ =	sdelay $0x3  }
0x36: {  	p1 =	seq.s32 s10, $0x1;
	s10 =	sld [smem:$0x3FB1];
	_ =	sdelay $0x3  }
0x37: {  	[smem:$0x3FB1] =	sst s10  }
0x38: {  	s10 =	sld [smem:$0x3FB2]  }
0x39: {  	_ = 	snop;
	(pc) =	sbr.ind lr, $3  }
0x3a: {  	_ = 	snop  }
0x3b: {  	_ = 	snop  }
0x3c: {  	p2 =	seq.s32 s10, $0x1;
	s10 =	sld [smem:$0x3FB1]  }
0x3d: {  	_ =	shalt  }
0x3e: {  	_ =	shalt  }
0x3f: {  	_ =	shalt  }
0x40: {  	_ =	shalt  }
0x41: {  	_ =	shalt  }
0x42: {  	_ =	shalt  }
0x43: {  	_ =	shalt  }
0x44: {  	_ =	shalt  }
0x45: {  	_ =	shalt  }
0x46: {  	_ =	shalt  }
0x47: {  	_ =	shalt  }
0x48: {  	_ =	shalt  }
0x49: {  	_ =	shalt  }
0x4a: {  	_ =	shalt  }
0x4b: {  	_ =	shalt  }
0x4c: {  	_ =	shalt  }
0x4d: {  	_ =	shalt  }
0x4e: {  	_ =	shalt  }
0x4f: {  	_ =	shalt  }
0x50: {  	_ =	shalt  }
0x51: {  	_ =	shalt  }
0x52: {  	_ =	shalt  }
0x53: {  	_ =	shalt  }
0x54: {  	_ =	shalt  }
0x55: {  	_ =	shalt  }
0x56: {  	_ =	shalt  }
0x57: {  	_ =	shalt  }
0x58: {  	_ =	shalt  }
0x59: {  	_ =	shalt  }
0x5a: {  	_ =	shalt  }
0x5b: {  	_ =	shalt  }
0x5c: {  	_ =	shalt  }
0x5d: {  	_ =	shalt  }
0x5e: {  	_ =	shalt  }
0x5f: {  	_ =	shalt  }
0x60: {  	_ =	shalt  }
0x61: {  	_ =	shalt  }
0x62: {  	_ =	shalt  }
0x63: {  	_ =	shalt  }
0x64: {  	_ =	shalt  }
0x65: {  	_ =	shalt  }
0x66: {  	_ =	shalt  }
0x67: {  	_ =	shalt  }
0x68: {  	_ =	shalt  }
0x69: {  	_ =	shalt  }
0x6a: {  	_ =	shalt  }
0x6b: {  	_ =	shalt  }
0x6c: {  	_ =	shalt  }
0x6d: {  	_ =	shalt  }
0x6e: {  	_ =	shalt  }
0x6f: {  	_ =	shalt  }
0x70: {  	_ =	shalt  }
0x71: {  	_ =	shalt  }
0x72: {  	_ =	shalt  }
0x73: {  	_ =	shalt  }
0x74: {  	_ =	shalt  }
0x75: {  	_ =	shalt  }
0x76: {  	_ =	shalt  }
0x77: {  	_ =	shalt  }
0x78: {  	_ =	shalt  }
0x79: {  	_ =	shalt  }
0x7a: {  	_ =	shalt  }
0x7b: {  	_ =	shalt  }
0x7c: {  	_ =	shalt  }
0x7d: {  	_ =	shalt  }
0x7e: {  	_ =	shalt  }
0x7f: {  	_ =	shalt  }
0x80: {  	_ =	shalt  }
0x81: {  	_ =	shalt  }
0x82: {  	_ =	shalt  }
0x83: {  	_ =	shalt  }
0x84: {  	_ =	shalt  }
0x85: {  	_ =	shalt  }
0x86: {  	_ =	shalt  }
0x87: {  	_ =	shalt  }
.Lfunc_end0:
.L_simem_size_0:
called_computation_lowered:
.L_overlay_start_0:
0x88: {  	s2 =	sld [smem:$0x3FD9]  }
0x89: {  	s3 =	sld [smem:$0x3FFE];
	_ =	sdelay $0x1  }
0x8a: {  	s1 =	srdreg.scid  }
0x8b: {  	s0 =	sand.u32 $0x1, s1  }
0x8c: {  	s17 =	sshll.u32 s0, $0xA;
	s2 =	sadd.s32 s3, s2  }
0x8d: {  	s2 =	sadd.s32 s2, s17  }
0x8e: {  	[smem:$0x3FBD] =	sst s2  }
0x8f: {  	_ = 	snop  }
0x90: {  	s2 =	sld [smem:$0x3FC9];
	(tm) =	ssettm $0x1  }
0x91: {  	s18 =	sld [smem:$0x3FFB];
	_ =	sdelay $0x3  }
0x92: {  	_ =	strace s18  }
0x93: {  	s3 =	sld [smem:$0x3FFC];
	_ =	sdelay $0x3  }
0x94: {  	_ =	strace s3  }
0x95: {  	s3 =	sld [smem:$0x3FFD];
	_ =	sdelay $0x3  }
0x96: {  	_ =	strace s3  }
0x97: {  	_ =	strace $0x8FFFFFFF  }
0x98: {  	s19 =	sld [smem:$0x3FDB];
	_ =	sdelay $0x1  }
0x99: {  	s4 =	simm.s32 $_scs_section_size  }
0x9a: {  	s5 =	simm.s32 $_size__tile_overlayer_lowered;
	s6 =	simm.s32 $_tile_overlayer_lowered  }
0x9b: {  	s22 =	simm.s32 $0x1BFF;
	s21 =	sshll.u32 s6, $0x1;
	s3 =	sadd.s32 s4, s19  }
0x9c: {  	s7 =	simm.s32 $0x0;
	s20 =	sshll.u32 s5, $0x1;
	s5 =	sadd.s32 s21, s3  }
0x9d: {  	[timem:s7], [sflag:s22] =	dma.local [hbm:s5], s20  }
0x9e: {  	_ =	swait.ge [sflag:s22], s20  }
0x9f: {  	s4 =	ssub.s32 $0x0, s20;
	[sflag:s22] =	ssyncset.done $0x0  }
0xa0: {  	[sflag:s22] =	ssyncadd.s32 s4;
	_ =	sdelay $0x1  }
0xa1: {  	s23 =	simm.s32 $0x1B8B  }
0xa2: {  	_ =	swait.ge [sflag:s23], $0x1  }
0xa3: {  	[sflag:s23] =	ssyncset.done $0x0  }
0xa4: {  	s25 =	simm.s32 $0x1B8E;
	s24 =	sld [smem:$0x3FFE];
	[sflag:s23] =	ssyncadd.s32 $0xFFFFFFFF  }
0xa5: {  	s26 =	simm.s32 $execute0_lowered;
	[smem:$0x3FD2] =	sst s25  }
0xa6: {  	s5 =	sshll.u32 s26, $0x1;
	_ =	strace $0x80000046;
	[dreg:$0x1] =	wrdreg $0xFFFFFFFF  }
0xa7: {  	s28 =	simm.s32 $_size_execute0_lowered;
	s3 =	sadd.s32 s3, s5;
	[dreg:$0x0] =	wrdreg $0x0  }
0xa8: {  	s5 =	sshll.u32 s28, $0x1;
	[dreg:$0x2] =	wrdreg s3  }
0xa9: {  	[dreg:$0x3] =	wrdreg s5  }
0xaa: {  	[dreg:$0x4] =	wrdreg $0xC0  }
0xab: {  	_ =	task [dreg:s7], $0x5FFFF  }
0xac: {  	[dreg:$0x1] =	wrdreg $0xFFFFFFFF  }
0xad: {  	[dreg:$0x0] =	wrdreg $0x60  }
0xae: {  	[dreg:$0x2] =	wrdreg s2  }
0xaf: {  	[dreg:$0x3] =	wrdreg s24  }
0xb0: {  	[dreg:$0x4] =	wrdreg $0x9  }
0xb1: {  	_ =	task.clear_ibuf [dreg:s7], $0x5FFFF;
	_ =	strace $0x90000046  }
0xb2: {  	s29 =	simm.s32 $0x9;
	_ =	strace $0x80000048  }
0xb3: {  	_ =	swait.ge [sflag:s29], $0x1  }
0xb4: {  	[sflag:s29] =	ssyncadd.s32 $0xFFFFFFFF  }
0xb5: {  	_ =	strace $0x90000048  }
0xb6: {  	_ =	sfence  }
0xb7: {  	s30 =	sld [smem:$0x0];
	_ =	sdelay $0x2  }
0xb8: {  	s31 =	sshll.u32 s1, $0xD;
	s1 =	sshrl.u32 s1, $0x2  }
0xb9: {  	s3 =	sand.u32 $0x4000, s31;
	s1 =	sadd.s32 s1, s30  }
0xba: {  	s0 =	sor.u32 s3, s0;
	s1 =	sshll.u32 s1, $0x11  }
0xbb: {  	s0 =	sor.u32 s1, s0  }
0xbc: {  	s0 =	sadd.s32 $0x8F2B, s0  }
0xbd: {  	[sflag:s0] =	ssyncadd.remote.s32 $0x1  }
0xbe: {  	_ =	sfence.sel $0xFFFF  }
0xbf: {  	[dreg:$0x0] =	wrdreg $0xFFFFFFFF;
	(pc) =	sbr.abs _section_cstart, $3  }
0xc0: {  	[dreg:$0x1] =	wrdreg $0xFFFFFFFF  }
0xc1: {  	_ =	task.clear_ibuf [dreg:s7], $0x2FFFF;
	_ =	strace $0x9FFFFFFF  }
0xc2: {  	(tm) =	ssettm $0x7FFFFFFF  }
0xc3: {  	_ =	shalt  }
tec
execute0_lowered:
.L_overlay_start_1:
0x0: {  	(tag) =	ssettag $0x1  }
0x1: {  	s2 =	rddreg [dreg:$0x0];
	s0 =	stileid.u32  }
0x2: {  	s1 =	srdreg.scid;
	s8 =	rddreg [dreg:$0x1]  }
0x3: {  	s5 =	simm.s32 $0x1;
	s9 =	simm.s32 $0x1;
	s10 =	simm.s32 $0x3  }
0x4: {  	s13 =	simm.s32 $0x0;
	s3 =	sand.u32 $0x1, s1;
	s4 =	sshll.u32 s0, $0x1  }
0x5: {  	s12 =	simm.s32 $0x0;
	s1 =	rddreg [dreg:$0x2];
	s6 =	sor.u32 s4, s3  }
0x6: {  	_ =	strace $0x80000047;
	s3 =	sadd.s32 $0x600, s8;
	s4 =	smul.u32 $0x500, s6  }
0x7: {  	[sflag:s5] =	ssyncpa.u1 $0x0;
	p0 =	slt.u32 s6, $0x9;
	s6 =	simm.s32 $0xA000  }
.Ltmp0:
0x8: {  	s6 =	simm.s32 @!p0 $0x0;
	s7 =	ssub.s32 $0xC800, s4;
	(pc) =	sbr.rel .LBB2_1-.Ltmp0, $4  }
0x9: {  	s9 =	simm.s32 @!p0 $0x0;
	p0 =	sne.s32 s7, s6;
	s7 =	simm.s32 $0x1  }
0xa: {  	s8 =	sadd.s32 $0x2000, s8;
	s6 =	simm.s32 $0x2;
	s7 =	simm.s32 @!p0 $0x0  }
0xb: {  	s11 =	smov.u32 s4;
	[sflag:s6] =	ssyncpa.u1 $0x0;
	s7 =	sadd.s32 s9, s7  }
0xc: {  	vm0 =	vmmov $0xffff;
	v0 =	vimm.s32 $0x0;
	[sflag:s10] =	ssyncpa.u1 $0x0;
	s10 =	simm.s32 $0x0;
	s9 =	sadd.s32 $0x1, s7  }
.LBB2_4:
0xd: {  	vm1 =	veq.s32 v1, $0x80000000;
	vm2 =	veq.s32 v4, $0x1;
	v1 =	vand.u32 $0xFFFF80, v3  }
0xe: {  	v3 =	vand.u32 $0x7F, v3;
	v4 =	vsel vm2, $0xFD2000, v0;
	v1 =	vsel vm1, $0xFFFFFF80, v1  }
0xf: {  	v3 =	vsel vm1, $0xFFFFFFFF, v3;
	v4 =	vsel vm1, $0xFF02E000, v4;
	v5 =	vand.u32 $0xFFFFFC00, v1  }
0x10: {  	v63 =	vand.u32 $0xFFFFFC00, v3;
	v4 =	vadd.s32 v4, v5  }
0x11: {  	v1 =	vand.u32 $0x380, v1;
	v4 =	vadd.s32 v63, v4  }
0x12: {  	v3 =	vand.u32 $0x7F, v3;
	v1 =	vor.u32 v1, v4  }
0x13: {  	v1 =	vor.u32 v3, v1;
	_ =	sdelay $0x1  }
0x14: {  	(ifvalue) =	ssetifvalue $0x7FFFFFFF;
	s15 =	sadd.s32 $0x10, s15  }
0x15: {  	[tilespmem:s15], [sflag:$0x1] =	stream.indirect_vreg.gather [hbm4b:s2+s10], $0x1, v2, vm0, $0x4038;
	[tilespmem:$0x1400] =	vst v63  }
0x16: {  	(ifvalue) =	ssetifvalue $0x7FFFFFFF;
	s15 =	sadd.s32 $0x10, s15  }
0x17: {  	[tilespmem:s15], [sflag:$0x1] =	stream.indirect_vreg.gather [hbm4b:s2+s10], $0x1, v1, vm0, $0x4038;
	[tilespmem:$0x1400] =	vst v63  }
0x18: {  	_ =	swait.ge [sflag:s5], $0x500  }
0x19: {  	s30 =	sshrl.u32 s13, $0x3;
	[sflag:s5] =	ssyncset.done $0x0  }
0x1a: {  	s31 =	sand.u32 $0x7, s13;
	s15 =	sadd.s32 s8, s30;
	[sflag:s5] =	ssyncadd.s32 $0xFFFFFB00  }
0x1b: {  	[hbm4b:s15+s31] =	stream.linear.scatter [tilespmem:s14], [sflag:$0x3], $0x500, $0x38;
	[tilespmem:$0x1400] =	vst v63  }
.LBB2_5:
0x1c: {  	s15 =	sadd.s32 $0xA000, s11  }
0x1d: {  	p1 =	sgt.s32 s15, $0xC7FF  }
0x1e: {  	s15 =	smov.u32 @p1 s4;
	p1 =	sne.s32 s12, s9  }
.Ltmp1:
0x1f: {  	p0 =	slt.u32 s12, $0x2;
	(pc) =	sbr.rel @!p1 .LBB2_6-.Ltmp1, $4  }
0x20: {  	s14 =	simm.s32 @!p0 $0x3  }
0x21: {  	_ =	swait.ge @!p0 [sflag:s14], $0x500  }
0x22: {  	s16 =	sadd.s32 $0x1, s12;
	s13 =	smov.u32 s11;
	[sflag:s14] =	ssyncset.done @!p0 $0x0  }
0x23: {  	s12 =	smov.u32 s16;
	s11 =	smov.u32 s15;
	[sflag:s14] =	ssyncadd.s32 @!p0 $0xFFFFFB00  }
.LBB2_1:
0x24: {  	p0 =	sge.u32 s12, s7  }
0x25: {  	s14 =	sxor.u32 @!p0 $0x1, s12  }
0x26: {  	s14 =	smul.u32 @!p0 $0x1400, s14  }
0x27: {  	s31 =	sadd.s32 $0xFFFFFFFF, s12;
	s15 =	sshrl.u32 @!p0 s11, $0x3  }
0x28: {  	s16 =	sand.u32 @!p0 $0x7, s11;
	s15 =	sadd.s32 @!p0 s3, s15;
	s14 =	sshra.s32 @!p0 s14, $0x2  }
0x29: {  	[tilespmem:s14], [sflag:$0x2] =	stream.linear.gather @!p0 [hbm4b:s15+s16], $0x500, $0x38;
	[tilespmem:$0x1400] =	vst v63  }
0x2a: {  	p0 =	sge.u32 s31, s7  }
.Ltmp2:
0x2b: {  	_ = 	snop;
	(pc) =	sbr.rel @p0 .LBB2_5-.Ltmp2, $1  }
0x2c: {  	_ =	sdelay $0x3  }
0x2d: {  	s14 =	sand.u32 $0x1, s12  }
0x2e: {  	_ =	swait.ge [sflag:s6], $0x500;
	p0 =	seq.s32 s14, $0x1;
	s14 =	simm.s32 $0x500  }
0x2f: {  	[sflag:s6] =	ssyncset.done $0x0;
	s14 =	simm.s32 @!p0 $0x0  }
0x30: {  	[sflag:s6] =	ssyncadd.s32 $0xFFFFFB00;
	(ifvalue) =	ssetifvalue $0x7FFFFFFF;
	v1 =	vld.msk [tilespmem:s14+$0x0 ss:$0x1], $0xffff;
	_ =	sdelay $0x4  }
0x31: {  	v2 =	vshrl.u32 v1, $0x1;
	v3 =	vand.u32 $0x1, v1  }
0x32: {  	s15 =	sadd.s32 $0x10, s14;
	vm1 =	veq.s32 v1, $0x80000000;
	vm2 =	veq.s32 v3, $0x1;
	v1 =	vand.u32 $0xFFFF80, v2  }
0x33: {  	v3 =	vld.msk [tilespmem:s15+$0x0 ss:$0x1], $0xffff;
	v2 =	vand.u32 $0x7F, v2;
	v4 =	vsel vm2, $0xFD2000, v0;
	v1 =	vsel vm1, $0xFFFFFF80, v1  }
0x34: {  	v2 =	vsel vm1, $0xFFFFFFFF, v2;
	v4 =	vsel vm1, $0xFF02E000, v4;
	v5 =	vand.u32 $0xFFFFFC00, v1  }
0x35: {  	v4 =	vadd.s32 v4, v5;
	v5 =	vand.u32 $0xFFFFFC00, v2  }
0x36: {  	v1 =	vand.u32 $0x380, v1;
	v4 =	vadd.s32 v5, v4  }
0x37: {  	v2 =	vand.u32 $0x7F, v2;
	v1 =	vor.u32 v1, v4  }
0x38: {  	v4 =	vshrl.u32 v3, $0x1;
	v5 =	vand.u32 $0x1, v3;
	vm1 =	veq.s32 v3, $0x80000000  }
0x39: {  	s15 =	sadd.s32 $0x10, s15;
	v2 =	vor.u32 v2, v1;
	vm2 =	veq.s32 v5, $0x1;
	v3 =	vand.u32 $0xFFFF80, v4  }
0x3a: {  	v1 =	vld.msk [tilespmem:s15+$0x0 ss:$0x1], $0xffff;
	v4 =	vand.u32 $0x7F, v4;
	v5 =	vsel vm2, $0xFD2000, v0;
	v3 =	vsel vm1, $0xFFFFFF80, v3  }
0x3b: {  	v4 =	vsel vm1, $0xFFFFFFFF, v4;
	v5 =	vsel vm1, $0xFF02E000, v5;
	v6 =	vand.u32 $0xFFFFFC00, v3  }
0x3c: {  	v5 =	vadd.s32 v5, v6;
	v6 =	vand.u32 $0xFFFFFC00, v4  }
0x3d: {  	s14 =	sor.u32 $0xA00, s14;
	(ifvalue) =	ssetifvalue $0x7FFFFFFF;
	v3 =	vand.u32 $0x380, v3;
	v5 =	vadd.s32 v6, v5  }
0x3e: {  	[tilespmem:s14], [sflag:$0x1] =	stream.indirect_vreg.gather [hbm4b:s2+s10], $0x1, v2, vm0, $0x4038;
	v2 =	vand.u32 $0x7F, v4;
	v5 =	vor.u32 v3, v5;
	[tilespmem:$0x1400] =	vst v63  }
0x3f: {  	s16 =	simm.s32 $0x20;
	s17 =	sadd.s32 $0x10, s15;
	s15 =	smov.u32 s14;
	v3 =	vshrl.u32 v1, $0x1;
	v4 =	vand.u32 $0x1, v1;
	v2 =	vor.u32 v2, v5  }
.LBB2_3:
0x40: {  	s16 =	sadd.s32 $0x10, s16;
	vm1 =	veq.s32 v1, $0x80000000;
	v1 =	vld.msk [tilespmem:s17+$0x0 ss:$0x1], $0xffff;
	vm2 =	veq.s32 v4, $0x1;
	v4 =	vand.u32 $0xFFFF80, v3  }
0x41: {  	v3 =	vand.u32 $0x7F, v3;
	p0 =	slt.u32 s16, $0x4F0;
	v5 =	vsel vm2, $0xFD2000, v0;
	v4 =	vsel vm1, $0xFFFFFF80, v4  }
.Ltmp3:
0x42: {  	v3 =	vsel vm1, $0xFFFFFFFF, v3;
	v5 =	vsel vm1, $0xFF02E000, v5;
	v6 =	vand.u32 $0xFFFFFC00, v4;
	(pc) =	sbr.rel @p0 .LBB2_3-.Ltmp3, $4  }
0x43: {  	s15 =	sadd.s32 $0x10, s15;
	v5 =	vadd.s32 v5, v6;
	v6 =	vand.u32 $0xFFFFFC00, v3;
	(ifvalue) =	ssetifvalue $0x7FFFFFFF  }
0x44: {  	v4 =	vand.u32 $0x380, v4;
	v5 =	vadd.s32 v6, v5;
	[tilespmem:s15], [sflag:$0x1] =	stream.indirect_vreg.gather [hbm4b:s2+s10], $0x1, v2, vm0, $0x4038;
	[tilespmem:$0x1400] =	vst v63  }
0x45: {  	v2 =	vand.u32 $0x7F, v3;
	v5 =	vor.u32 v4, v5  }
0x46: {  	s17 =	sadd.s32 $0x10, s17;
	v3 =	vshrl.u32 v1, $0x1;
	v4 =	vand.u32 $0x1, v1;
	v2 =	vor.u32 v2, v5  }
.Ltmp4:
0x47: {  	_ = 	snop;
	(pc) =	sbr.rel .LBB2_4-.Ltmp4, $1  }
0x48: {  	_ =	sdelay $0x3  }
.LBB2_6:
0x49: {  	_ =	sfence.sel $0x180000  }
0x4a: {  	s2 =	simm.s32 $0x2;
	[bflag:$0x0] =	sbarrier.arrive $0xFFFF  }
0x4b: {  	s30 =	simm.s32 $0x3;
	[sflag:s2] =	ssyncpa.u1 $0x1  }
0x4c: {  	s31 =	simm.s32 $0x1;
	[sflag:s30] =	ssyncpa.u1 $0x1  }
0x4d: {  	[sflag:s31] =	ssyncpa.u1 $0x1  }
0x4e: {  	p0 =	sne.s32 s0, $0x0;
	_ =	strace $0x90000047  }
0x4f: {  	s0 =	sadd.s32 @!p0 $0x100000, s1;
	[bflag:$0x2] =	sbarrier.arrive $0xFFFF  }
0x50: {  	[sflag:s0] =	ssyncadd.tile.s32 @!p0 $0x1;
	_ =	shalt  }
.Lfunc_end2:
_tile_overlayer_lowered:
.L_overlay_start_2:
0x51: {  	(tag) =	ssettag $0x2  }
0x52: {  	s0 =	rddreg [dreg:$0x0];
	s2 =	stileid.u32  }
0x53: {  	s1 =	rddreg [dreg:$0x1];
	p0 =	sne.s32 s2, $0x0  }
0x54: {  	s3 =	rddreg [dreg:$0x2];
	[bflag:$0x3] =	sbarrier.arrive $0xFFFF;
	s2 =	simm.s32 @!p0 $0x1C01  }
0x55: {  	[timem:s3], [sflag:s2] =	dma.local @!p0 [hbm:s0], s1  }
0x56: {  	s0 =	simm.s32 @!p0 $0x1  }
0x57: {  	_ =	swait.ge @!p0 [sflag:s0], s1  }
0x58: {  	s1 =	ssub.s32 @!p0 $0x0, s1;
	[sflag:s0] =	ssyncset.done @!p0 $0x0  }
0x59: {  	[sflag:s0] =	ssyncadd.s32 @!p0 s1  }
0x5a: {  	[bflag:$0x3] =	sbarrier.arrive $0xFFFF  }
0x5b: {  	_ =	shalt  }

</sc_bundles>
